<compile_context>
chip_gen: v7x
topology: tpu7x:2x2x1
jax: 0.10.2.dev20260603
libtpu: 0.0.44.dev20260713+nightly
codegen_flags: <defaults>
</compile_context>

<pallas_src>
import dataclasses
import functools

import jax
import jax.numpy as jnp
from jax import lax
from jax.experimental import pallas as pl
from jax.experimental.pallas import tpu as pltpu
from jax.experimental.pallas import tpu_sc as plsc

_B = 16384
_K = 1024
_R = 16
_NW = 32
_NB = _B // (_NW * _R)


def _sc_permute(x, perm):
    mesh = plsc.VectorSubcoreMesh(core_axis_name="c", subcore_axis_name="s")
    cp = pltpu.CompilerParams()
    if "needs_layout_passes" in pltpu.CompilerParams.__dataclass_fields__:
        cp = dataclasses.replace(cp, needs_layout_passes=False)

    @functools.partial(
        pl.kernel,
        mesh=mesh,
        out_type=jax.ShapeDtypeStruct((_B, _K), jnp.float32),
        scratch_types=[
            pltpu.VMEM((_K,), jnp.int32),
            pltpu.VMEM((_R, _K), jnp.float32),
            pltpu.VMEM((_R, _K), jnp.float32),
            pltpu.VMEM((_R, _K), jnp.float32),
            pltpu.VMEM((_R, _K), jnp.float32),
            pltpu.SemaphoreType.DMA,
            pltpu.SemaphoreType.DMA,
            pltpu.SemaphoreType.DMA,
            pltpu.SemaphoreType.DMA,
        ],
        compiler_params=cp,
    )
    def run(x_hbm, perm_hbm, out_hbm, idx_v,
            in0, in1, out0, out1, si0, si1, so0, so1):
        wid = lax.axis_index("s") * 2 + lax.axis_index("c")
        base = wid * (_NB * _R)
        pltpu.sync_copy(perm_hbm, idx_v)

        def rows(g):
            return pl.ds(base + g * _R, _R)

        def compute(in_v, out_v):
            @pl.loop(0, _K // 16)
            def _(kc):
                col = idx_v[pl.ds(kc * 16, 16)]

                @plsc.parallel_loop(0, _R, 1, unroll=16)
                def _(r):
                    row = jnp.full((16,), r, jnp.int32)
                    out_v[r, pl.ds(kc * 16, 16)] = plsc.load_gather(
                        in_v, [row, col]
                    )

        pltpu.async_copy(x_hbm.at[rows(0)], in0, si0)
        pltpu.async_copy(x_hbm.at[rows(1)], in1, si1)

        @pl.loop(0, _NB // 2)
        def _(it):
            g = it * 2
            for b, inb, outb, sib, sob in (
                (0, in0, out0, si0, so0),
                (1, in1, out1, si1, so1),
            ):
                pltpu.make_async_copy(x_hbm.at[rows(0)], inb, sib).wait()

                @pl.when(it > 0)
                def _():
                    pltpu.make_async_copy(outb, out_hbm.at[rows(0)], sob).wait()

                compute(inb, outb)
                pltpu.async_copy(outb, out_hbm.at[rows(g + b)], sob)

                @pl.when(it < _NB // 2 - 1)
                def _():
                    pltpu.async_copy(x_hbm.at[rows(g + b + 2)], inb, sib)

        pltpu.make_async_copy(out0, out_hbm.at[rows(0)], so0).wait()
        pltpu.make_async_copy(out1, out_hbm.at[rows(1)], so1).wait()

    return run(x, perm)


def kernel(x, matrix):
    perm = jnp.transpose(matrix).reshape(_K).astype(jnp.int32)
    out = _sc_permute(x, perm)
    return out.reshape(_B, 32, 32)

# --- scband reference (transcript-rebuilt; emitter-appended) ---
"""Pipeline reference for scband-hilbert-decoder-41300405518336 (READ-ONLY COPY).

The authoritative reference and input builder live on the scoring server;
editing this copy changes nothing except your own understanding.
"""

import jax, jax.numpy as jnp
import numpy as np


def _d2xy(n, d):
    # standard Hilbert curve decode: distance d -> (x, y) on n x n grid (n power of 2)
    x = 0
    y = 0
    t = d
    s = 1
    while s < n:
        rx = 1 & (t // 2)
        ry = 1 & (t ^ rx)
        if ry == 0:
            if rx == 1:
                x = s - 1 - x
                y = s - 1 - y
            x, y = y, x
        x += s * rx
        y += s * ry
        t //= 4
        s *= 2
    return x, y


def _hilbert_matrix(size):
    m = np.zeros((size, size), dtype=np.int64)
    for d in range(size * size):
        xx, yy = _d2xy(size, d)
        m[xx, yy] = d
    return m


def setup_inputs(seed: int = 0) -> dict:
    key = jax.random.key(seed)
    size = 32
    x = jax.random.normal(key, (16384, size * size), dtype=jnp.float32)
    matrix = jnp.asarray(_hilbert_matrix(size))  # int64[32, 32], buffer built in __init__
    return {"x": x, "matrix": matrix}


def reference(x, matrix):
    # torch: x.T[self.matrix].T
    xt = x.T                 # [size*size, B]
    g = xt[matrix]           # gather -> [size, size, B]
    return g.T               # jnp .T reverses all axes -> [B, size, size]

if __name__ == "__main__":
    import jax
    _d = setup_inputs()
    print(jax.jit(kernel)(*tuple(_d.values())))

</pallas_src>

<mosaic_0001>
#map = affine_map<(d0, d1) -> (0, 0)>
#map1 = affine_map<(d0, d1) -> (0)>
module attributes {stable_mosaic.version = 14 : i64} {
  func.func @run(%arg0: i32, %arg1: i32, %arg2: memref<16384x1024xf32, #tpu.memory_space<hbm>>, %arg3: memref<1024xi32, #tpu.memory_space<hbm>>, %arg4: memref<16384x1024xf32, #tpu.memory_space<hbm>>, %arg5: memref<1024xi32, #tpu.memory_space<vmem>>, %arg6: memref<16x1024xf32, #tpu.memory_space<vmem>>, %arg7: memref<16x1024xf32, #tpu.memory_space<vmem>>, %arg8: memref<16x1024xf32, #tpu.memory_space<vmem>>, %arg9: memref<16x1024xf32, #tpu.memory_space<vmem>>, %arg10: memref<!tpu.dma_semaphore, #tpu.memory_space<semaphore_mem>>, %arg11: memref<!tpu.dma_semaphore, #tpu.memory_space<semaphore_mem>>, %arg12: memref<!tpu.dma_semaphore, #tpu.memory_space<semaphore_mem>>, %arg13: memref<!tpu.dma_semaphore, #tpu.memory_space<semaphore_mem>>) attributes {dimension_semantics = [#tpu.dimension_semantics<core_parallel>, #tpu.dimension_semantics<subcore_parallel>], iteration_bounds = array<i64: 2, 16>, scalar_prefetch = 0 : i64, scratch_operands = 9 : i64, tpu.core_type = #tpu.core_type<sc_vector_subcore>, window_params = [{transform_indices = #map}, {transform_indices = #map1}, {transform_indices = #map}]} {
    %mul3A = arith.constant 2 : i32
    %mul3A_0 = arith.muli %arg1, %mul3A : i32
    %add3A = arith.addi %mul3A_0, %arg0 : i32
    %mul3A_1 = arith.constant 512 : i32
    %mul3A_2 = arith.muli %add3A, %mul3A_1 : i32
    "tpu.region"() ({
      %run_scoped3A = tpu.sem_alloc : memref<!tpu.dma_semaphore, #tpu.memory_space<semaphore_mem>>
      tpu.enqueue_dma source(%arg3 : memref<1024xi32, #tpu.memory_space<hbm>>) target(%arg5 : memref<1024xi32, #tpu.memory_space<vmem>>) target_semaphore(%run_scoped3A : memref<!tpu.dma_semaphore, #tpu.memory_space<semaphore_mem>>)
      tpu.wait_dma2 semaphore(%run_scoped3A : memref<!tpu.dma_semaphore, #tpu.memory_space<semaphore_mem>>) src(%arg3 : memref<1024xi32, #tpu.memory_space<hbm>>) dst(%arg5 : memref<1024xi32, #tpu.memory_space<vmem>>)
      tpu.yield
    }) : () -> ()
    %add3A_3 = arith.constant 0 : i32
    %add3A_4 = arith.addi %mul3A_2, %add3A_3 : i32
    %dma_start3A = arith.constant 0 : i32
    %dma_start3A_5 = tpu.memref_slice %arg2[%add3A_4, %dma_start3A] : memref<16384x1024xf32, #tpu.memory_space<hbm>> -> memref<16x1024xf32, #tpu.memory_space<hbm>>
    %dma_start3A_6 = arith.constant 0 : i32
    %dma_start3A_7 = tpu.memref_slice %arg2[%add3A_4, %dma_start3A_6] : memref<16384x1024xf32, #tpu.memory_space<hbm>> -> memref<16x1024xf32, #tpu.memory_space<hbm>>
    tpu.enqueue_dma source(%dma_start3A_7 : memref<16x1024xf32, #tpu.memory_space<hbm>>) target(%arg6 : memref<16x1024xf32, #tpu.memory_space<vmem>>) target_semaphore(%arg10 : memref<!tpu.dma_semaphore, #tpu.memory_space<semaphore_mem>>)
    %add3A_8 = arith.constant 16 : i32
    %add3A_9 = arith.addi %mul3A_2, %add3A_8 : i32
    %dma_start3A_10 = arith.constant 0 : i32
    %dma_start3A_11 = tpu.memref_slice %arg2[%add3A_9, %dma_start3A_10] : memref<16384x1024xf32, #tpu.memory_space<hbm>> -> memref<16x1024xf32, #tpu.memory_space<hbm>>
    %dma_start3A_12 = arith.constant 0 : i32
    %dma_start3A_13 = tpu.memref_slice %arg2[%add3A_9, %dma_start3A_12] : memref<16384x1024xf32, #tpu.memory_space<hbm>> -> memref<16x1024xf32, #tpu.memory_space<hbm>>
    tpu.enqueue_dma source(%dma_start3A_13 : memref<16x1024xf32, #tpu.memory_space<hbm>>) target(%arg7 : memref<16x1024xf32, #tpu.memory_space<vmem>>) target_semaphore(%arg11 : memref<!tpu.dma_semaphore, #tpu.memory_space<semaphore_mem>>)
    %scan3A = arith.constant 0 : i32
    %scan3A_14 = arith.constant 16 : i32
    %scan3A_15 = arith.addi %scan3A, %scan3A_14 : i32
    %scan3A_16 = arith.constant 1 : i32
    scf.for %scan3A_29 = %scan3A to %scan3A_15 step %scan3A_16  : i32 {
      %mul3A_30 = arith.constant 1 : i32
      %mul3A_31 = arith.muli %scan3A_29, %mul3A_30 : i32
      %add3A_32 = arith.constant 0 : i32
      %add3A_33 = arith.addi %add3A_32, %mul3A_31 : i32
      %mul3A_34 = arith.constant 2 : i32
      %mul3A_35 = arith.muli %add3A_33, %mul3A_34 : i32
      %add3A_36 = arith.constant 0 : i32
      %add3A_37 = arith.addi %mul3A_2, %add3A_36 : i32
      %dma_wait3A_38 = arith.constant 0 : i32
      %dma_wait3A_39 = tpu.memref_slice %arg2[%add3A_37, %dma_wait3A_38] : memref<16384x1024xf32, #tpu.memory_space<hbm>> -> memref<16x1024xf32, #tpu.memory_space<hbm>>
      %dma_wait3A_40 = arith.constant 0 : i32
      %dma_wait3A_41 = tpu.memref_slice %arg2[%add3A_37, %dma_wait3A_40] : memref<16384x1024xf32, #tpu.memory_space<hbm>> -> memref<16x1024xf32, #tpu.memory_space<hbm>>
      tpu.wait_dma2 semaphore(%arg10 : memref<!tpu.dma_semaphore, #tpu.memory_space<semaphore_mem>>) src(%dma_wait3A_41 : memref<16x1024xf32, #tpu.memory_space<hbm>>) dst(%arg6 : memref<16x1024xf32, #tpu.memory_space<vmem>>)
      %gt3A = arith.constant 0 : i32
      %gt3A_42 = arith.cmpi sgt, %add3A_33, %gt3A : i32
      %convert_element_type3A = arith.extui %gt3A_42 : i1 to i32
      %cond3A = arith.constant 0 : i32
      %cond3A_43 = arith.cmpi ne, %convert_element_type3A, %cond3A : i32
      scf.if %cond3A_43 {
        %add3A_92 = arith.constant 0 : i32
        %add3A_93 = arith.addi %mul3A_2, %add3A_92 : i32
        %dma_wait3A_94 = arith.constant 0 : i32
        %dma_wait3A_95 = tpu.memref_slice %arg4[%add3A_93, %dma_wait3A_94] : memref<16384x1024xf32, #tpu.memory_space<hbm>> -> memref<16x1024xf32, #tpu.memory_space<hbm>>
        %dma_wait3A_96 = arith.constant 0 : i32
        %dma_wait3A_97 = tpu.memref_slice %arg4[%add3A_93, %dma_wait3A_96] : memref<16384x1024xf32, #tpu.memory_space<hbm>> -> memref<16x1024xf32, #tpu.memory_space<hbm>>
        tpu.wait_dma2 semaphore(%arg12 : memref<!tpu.dma_semaphore, #tpu.memory_space<semaphore_mem>>) src(%arg8 : memref<16x1024xf32, #tpu.memory_space<vmem>>) dst(%dma_wait3A_97 : memref<16x1024xf32, #tpu.memory_space<hbm>>)
      } else {
      }
      %scan3A_44 = arith.constant 0 : i32
      %scan3A_45 = arith.constant 64 : i32
      %scan3A_46 = arith.addi %scan3A_44, %scan3A_45 : i32
      %scan3A_47 = arith.constant 1 : i32
      scf.for %scan3A_92 = %scan3A_44 to %scan3A_46 step %scan3A_47  : i32 {
        %mul3A_93 = arith.constant 1 : i32
        %mul3A_94 = arith.muli %scan3A_92, %mul3A_93 : i32
        %add3A_95 = arith.constant 0 : i32
        %add3A_96 = arith.addi %add3A_95, %mul3A_94 : i32
        %mul3A_97 = arith.constant 16 : i32
        %mul3A_98 = arith.muli %add3A_96, %mul3A_97 : i32
        %get3A = arith.index_cast %mul3A_98 : i32 to index
        %get3A_99 = tpu.vector_load %arg5[%get3A] {strides = array<i32>} : memref<1024xi32, #tpu.memory_space<vmem>>, vector<16xi32>,
        %parallel_loop3A = arith.constant 0 : i32
        %parallel_loop3A_100 = arith.constant 16 : i32
        %parallel_loop3A_101 = arith.constant 1 : i32
        scf.for %parallel_loop3A_102 = %parallel_loop3A to %parallel_loop3A_100 step %parallel_loop3A_101  : i32 {
          %parallel_loop3A_103 = vector.broadcast %parallel_loop3A_102 : i32 to vector<16xi32>
          %parallel_loop3A_104 = tpu.vector_load_idx %arg6[%parallel_loop3A_103, %get3A_99] : memref<16x1024xf32, #tpu.memory_space<vmem>>[vector<16xi32>, vector<16xi32>], vector<16xf32>,
          %parallel_loop3A_105 = arith.constant 16 : i32
          %parallel_loop3A_106 = arith.muli %add3A_96, %parallel_loop3A_105 : i32
          %parallel_loop3A_107 = arith.index_cast %parallel_loop3A_102 : i32 to index
          %parallel_loop3A_108 = arith.index_cast %parallel_loop3A_106 : i32 to index
          %parallel_loop3A_109 = tpu.vector_load %arg8[%parallel_loop3A_107, %parallel_loop3A_108] {strides = array<i32>} : memref<16x1024xf32, #tpu.memory_space<vmem>>, vector<16xf32>,
          tpu.vector_store %arg8[%parallel_loop3A_107, %parallel_loop3A_108], %parallel_loop3A_104 {strides = array<i32>} : memref<16x1024xf32, #tpu.memory_space<vmem>>, vector<16xf32>,
        } {sc.loop_unroll_factor = 16 : i64, sc.parallel_access}
      }
      %scan3A_48 = arith.constant 64 : i32
      %add3A_49 = arith.constant 0 : i32
      %add3A_50 = arith.addi %mul3A_35, %add3A_49 : i32
      %mul3A_51 = arith.constant 16 : i32
      %mul3A_52 = arith.muli %add3A_50, %mul3A_51 : i32
      %add3A_53 = arith.addi %mul3A_2, %mul3A_52 : i32
      %dma_start3A_54 = arith.constant 0 : i32
      %dma_start3A_55 = tpu.memref_slice %arg4[%add3A_53, %dma_start3A_54] : memref<16384x1024xf32, #tpu.memory_space<hbm>> -> memref<16x1024xf32, #tpu.memory_space<hbm>>
      %dma_start3A_56 = arith.constant 0 : i32
      %dma_start3A_57 = tpu.memref_slice %arg4[%add3A_53, %dma_start3A_56] : memref<16384x1024xf32, #tpu.memory_space<hbm>> -> memref<16x1024xf32, #tpu.memory_space<hbm>>
      tpu.enqueue_dma source(%arg8 : memref<16x1024xf32, #tpu.memory_space<vmem>>) target(%dma_start3A_57 : memref<16x1024xf32, #tpu.memory_space<hbm>>) target_semaphore(%arg12 : memref<!tpu.dma_semaphore, #tpu.memory_space<semaphore_mem>>)
      %lt3A = arith.constant 15 : i32
      %lt3A_58 = arith.cmpi slt, %add3A_33, %lt3A : i32
      %convert_element_type3A_59 = arith.extui %lt3A_58 : i1 to i32
      %cond3A_60 = arith.constant 0 : i32
      %cond3A_61 = arith.cmpi ne, %convert_element_type3A_59, %cond3A_60 : i32
      scf.if %cond3A_61 {
        %add3A_92 = arith.constant 0 : i32
        %add3A_93 = arith.addi %mul3A_35, %add3A_92 : i32
        %add3A_94 = arith.constant 2 : i32
        %add3A_95 = arith.addi %add3A_93, %add3A_94 : i32
        %mul3A_96 = arith.constant 16 : i32
        %mul3A_97 = arith.muli %add3A_95, %mul3A_96 : i32
        %add3A_98 = arith.addi %mul3A_2, %mul3A_97 : i32
        %dma_start3A_99 = arith.constant 0 : i32
        %dma_start3A_100 = tpu.memref_slice %arg2[%add3A_98, %dma_start3A_99] : memref<16384x1024xf32, #tpu.memory_space<hbm>> -> memref<16x1024xf32, #tpu.memory_space<hbm>>
        %dma_start3A_101 = arith.constant 0 : i32
        %dma_start3A_102 = tpu.memref_slice %arg2[%add3A_98, %dma_start3A_101] : memref<16384x1024xf32, #tpu.memory_space<hbm>> -> memref<16x1024xf32, #tpu.memory_space<hbm>>
        tpu.enqueue_dma source(%dma_start3A_102 : memref<16x1024xf32, #tpu.memory_space<hbm>>) target(%arg6 : memref<16x1024xf32, #tpu.memory_space<vmem>>) target_semaphore(%arg10 : memref<!tpu.dma_semaphore, #tpu.memory_space<semaphore_mem>>)
      } else {
      }
      %add3A_62 = arith.constant 0 : i32
      %add3A_63 = arith.addi %mul3A_2, %add3A_62 : i32
      %dma_wait3A_64 = arith.constant 0 : i32
      %dma_wait3A_65 = tpu.memref_slice %arg2[%add3A_63, %dma_wait3A_64] : memref<16384x1024xf32, #tpu.memory_space<hbm>> -> memref<16x1024xf32, #tpu.memory_space<hbm>>
      %dma_wait3A_66 = arith.constant 0 : i32
      %dma_wait3A_67 = tpu.memref_slice %arg2[%add3A_63, %dma_wait3A_66] : memref<16384x1024xf32, #tpu.memory_space<hbm>> -> memref<16x1024xf32, #tpu.memory_space<hbm>>
      tpu.wait_dma2 semaphore(%arg11 : memref<!tpu.dma_semaphore, #tpu.memory_space<semaphore_mem>>) src(%dma_wait3A_67 : memref<16x1024xf32, #tpu.memory_space<hbm>>) dst(%arg7 : memref<16x1024xf32, #tpu.memory_space<vmem>>)
      %gt3A_68 = arith.constant 0 : i32
      %gt3A_69 = arith.cmpi sgt, %add3A_33, %gt3A_68 : i32
      %convert_element_type3A_70 = arith.extui %gt3A_69 : i1 to i32
      %cond3A_71 = arith.constant 0 : i32
      %cond3A_72 = arith.cmpi ne, %convert_element_type3A_70, %cond3A_71 : i32
      scf.if %cond3A_72 {
        %add3A_92 = arith.constant 0 : i32
        %add3A_93 = arith.addi %mul3A_2, %add3A_92 : i32
        %dma_wait3A_94 = arith.constant 0 : i32
        %dma_wait3A_95 = tpu.memref_slice %arg4[%add3A_93, %dma_wait3A_94] : memref<16384x1024xf32, #tpu.memory_space<hbm>> -> memref<16x1024xf32, #tpu.memory_space<hbm>>
        %dma_wait3A_96 = arith.constant 0 : i32
        %dma_wait3A_97 = tpu.memref_slice %arg4[%add3A_93, %dma_wait3A_96] : memref<16384x1024xf32, #tpu.memory_space<hbm>> -> memref<16x1024xf32, #tpu.memory_space<hbm>>
        tpu.wait_dma2 semaphore(%arg13 : memref<!tpu.dma_semaphore, #tpu.memory_space<semaphore_mem>>) src(%arg9 : memref<16x1024xf32, #tpu.memory_space<vmem>>) dst(%dma_wait3A_97 : memref<16x1024xf32, #tpu.memory_space<hbm>>)
      } else {
      }
      %scan3A_73 = arith.constant 0 : i32
      %scan3A_74 = arith.constant 64 : i32
      %scan3A_75 = arith.addi %scan3A_73, %scan3A_74 : i32
      %scan3A_76 = arith.constant 1 : i32
      scf.for %scan3A_92 = %scan3A_73 to %scan3A_75 step %scan3A_76  : i32 {
        %mul3A_93 = arith.constant 1 : i32
        %mul3A_94 = arith.muli %scan3A_92, %mul3A_93 : i32
        %add3A_95 = arith.constant 0 : i32
        %add3A_96 = arith.addi %add3A_95, %mul3A_94 : i32
        %mul3A_97 = arith.constant 16 : i32
        %mul3A_98 = arith.muli %add3A_96, %mul3A_97 : i32
        %get3A = arith.index_cast %mul3A_98 : i32 to index
        %get3A_99 = tpu.vector_load %arg5[%get3A] {strides = array<i32>} : memref<1024xi32, #tpu.memory_space<vmem>>, vector<16xi32>,
        %parallel_loop3A = arith.constant 0 : i32
        %parallel_loop3A_100 = arith.constant 16 : i32
        %parallel_loop3A_101 = arith.constant 1 : i32
        scf.for %parallel_loop3A_102 = %parallel_loop3A to %parallel_loop3A_100 step %parallel_loop3A_101  : i32 {
          %parallel_loop3A_103 = vector.broadcast %parallel_loop3A_102 : i32 to vector<16xi32>
          %parallel_loop3A_104 = tpu.vector_load_idx %arg7[%parallel_loop3A_103, %get3A_99] : memref<16x1024xf32, #tpu.memory_space<vmem>>[vector<16xi32>, vector<16xi32>], vector<16xf32>,
          %parallel_loop3A_105 = arith.constant 16 : i32
          %parallel_loop3A_106 = arith.muli %add3A_96, %parallel_loop3A_105 : i32
          %parallel_loop3A_107 = arith.index_cast %parallel_loop3A_102 : i32 to index
          %parallel_loop3A_108 = arith.index_cast %parallel_loop3A_106 : i32 to index
          %parallel_loop3A_109 = tpu.vector_load %arg9[%parallel_loop3A_107, %parallel_loop3A_108] {strides = array<i32>} : memref<16x1024xf32, #tpu.memory_space<vmem>>, vector<16xf32>,
          tpu.vector_store %arg9[%parallel_loop3A_107, %parallel_loop3A_108], %parallel_loop3A_104 {strides = array<i32>} : memref<16x1024xf32, #tpu.memory_space<vmem>>, vector<16xf32>,
        } {sc.loop_unroll_factor = 16 : i64, sc.parallel_access}
      }
      %scan3A_77 = arith.constant 64 : i32
      %add3A_78 = arith.constant 1 : i32
      %add3A_79 = arith.addi %mul3A_35, %add3A_78 : i32
      %mul3A_80 = arith.constant 16 : i32
      %mul3A_81 = arith.muli %add3A_79, %mul3A_80 : i32
      %add3A_82 = arith.addi %mul3A_2, %mul3A_81 : i32
      %dma_start3A_83 = arith.constant 0 : i32
      %dma_start3A_84 = tpu.memref_slice %arg4[%add3A_82, %dma_start3A_83] : memref<16384x1024xf32, #tpu.memory_space<hbm>> -> memref<16x1024xf32, #tpu.memory_space<hbm>>
      %dma_start3A_85 = arith.constant 0 : i32
      %dma_start3A_86 = tpu.memref_slice %arg4[%add3A_82, %dma_start3A_85] : memref<16384x1024xf32, #tpu.memory_space<hbm>> -> memref<16x1024xf32, #tpu.memory_space<hbm>>
      tpu.enqueue_dma source(%arg9 : memref<16x1024xf32, #tpu.memory_space<vmem>>) target(%dma_start3A_86 : memref<16x1024xf32, #tpu.memory_space<hbm>>) target_semaphore(%arg13 : memref<!tpu.dma_semaphore, #tpu.memory_space<semaphore_mem>>)
      %lt3A_87 = arith.constant 15 : i32
      %lt3A_88 = arith.cmpi slt, %add3A_33, %lt3A_87 : i32
      %convert_element_type3A_89 = arith.extui %lt3A_88 : i1 to i32
      %cond3A_90 = arith.constant 0 : i32
      %cond3A_91 = arith.cmpi ne, %convert_element_type3A_89, %cond3A_90 : i32
      scf.if %cond3A_91 {
        %add3A_92 = arith.constant 1 : i32
        %add3A_93 = arith.addi %mul3A_35, %add3A_92 : i32
        %add3A_94 = arith.constant 2 : i32
        %add3A_95 = arith.addi %add3A_93, %add3A_94 : i32
        %mul3A_96 = arith.constant 16 : i32
        %mul3A_97 = arith.muli %add3A_95, %mul3A_96 : i32
        %add3A_98 = arith.addi %mul3A_2, %mul3A_97 : i32
        %dma_start3A_99 = arith.constant 0 : i32
        %dma_start3A_100 = tpu.memref_slice %arg2[%add3A_98, %dma_start3A_99] : memref<16384x1024xf32, #tpu.memory_space<hbm>> -> memref<16x1024xf32, #tpu.memory_space<hbm>>
        %dma_start3A_101 = arith.constant 0 : i32
        %dma_start3A_102 = tpu.memref_slice %arg2[%add3A_98, %dma_start3A_101] : memref<16384x1024xf32, #tpu.memory_space<hbm>> -> memref<16x1024xf32, #tpu.memory_space<hbm>>
        tpu.enqueue_dma source(%dma_start3A_102 : memref<16x1024xf32, #tpu.memory_space<hbm>>) target(%arg7 : memref<16x1024xf32, #tpu.memory_space<vmem>>) target_semaphore(%arg11 : memref<!tpu.dma_semaphore, #tpu.memory_space<semaphore_mem>>)
      } else {
      }
    }
    %scan3A_17 = arith.constant 16 : i32
    %add3A_18 = arith.constant 0 : i32
    %add3A_19 = arith.addi %mul3A_2, %add3A_18 : i32
    %dma_wait3A = arith.constant 0 : i32
    %dma_wait3A_20 = tpu.memref_slice %arg4[%add3A_19, %dma_wait3A] : memref<16384x1024xf32, #tpu.memory_space<hbm>> -> memref<16x1024xf32, #tpu.memory_space<hbm>>
    %dma_wait3A_21 = arith.constant 0 : i32
    %dma_wait3A_22 = tpu.memref_slice %arg4[%add3A_19, %dma_wait3A_21] : memref<16384x1024xf32, #tpu.memory_space<hbm>> -> memref<16x1024xf32, #tpu.memory_space<hbm>>
    tpu.wait_dma2 semaphore(%arg12 : memref<!tpu.dma_semaphore, #tpu.memory_space<semaphore_mem>>) src(%arg8 : memref<16x1024xf32, #tpu.memory_space<vmem>>) dst(%dma_wait3A_22 : memref<16x1024xf32, #tpu.memory_space<hbm>>)
    %add3A_23 = arith.constant 16 : i32
    %add3A_24 = arith.addi %mul3A_2, %add3A_23 : i32
    %dma_wait3A_25 = arith.constant 0 : i32
    %dma_wait3A_26 = tpu.memref_slice %arg4[%add3A_24, %dma_wait3A_25] : memref<16384x1024xf32, #tpu.memory_space<hbm>> -> memref<16x1024xf32, #tpu.memory_space<hbm>>
    %dma_wait3A_27 = arith.constant 0 : i32
    %dma_wait3A_28 = tpu.memref_slice %arg4[%add3A_24, %dma_wait3A_27] : memref<16384x1024xf32, #tpu.memory_space<hbm>> -> memref<16x1024xf32, #tpu.memory_space<hbm>>
    tpu.wait_dma2 semaphore(%arg13 : memref<!tpu.dma_semaphore, #tpu.memory_space<semaphore_mem>>) src(%arg9 : memref<16x1024xf32, #tpu.memory_space<vmem>>) dst(%dma_wait3A_28 : memref<16x1024xf32, #tpu.memory_space<hbm>>)
    return
  }
}

</mosaic_0001>

<sc_bundles>
// kernel: kernel.3.cloned.1.call-start
scs
__scs_entry_jumppad:
0x0: {  	(pc) =	sbr.rel $0x88, $3  }
0x1: {  	(tag) =	ssettag $0x0;
	lr =	simm.s32 $0x1  }
0x2: {  	[smem:$0x3F9F] =	sst lr;
	_ =	strace $0xD0000000  }
0x3: {  	_ = 	snop  }
0x4: {  	_ = 	snop  }
0x5: {  	_ = 	snop  }
0x6: {  	_ = 	snop  }
0x7: {  	_ = 	snop  }
__scs_overlays_trampoline_lowered:
0x8: {  	[smem:$0x3FAE] =	sst s0  }
0x9: {  	[smem:$0x3FAF] =	sst s1  }
0xa: {  	[smem:$0x3FB0] =	sst s2  }
0xb: {  	[smem:$0x3FB1] =	sst s3  }
0xc: {  	[smem:$0x3FB2] =	sst s4  }
0xd: {  	[smem:$0x3FB3] =	sst s5  }
0xe: {  	[smem:$0x3FB4] =	sst s6  }
0xf: {  	[smem:$0x3FB5] =	sst s7  }
0x10: {  	[smem:$0x3FB6] =	sst s8  }
0x11: {  	[smem:$0x3FB7] =	sst s9;
	s0 =	simm.s32 @!p0 $0x0  }
0x12: {  	s1 =	sld [smem:$0x3F9D];
	s0 =	simm.s32 @p0 $0x1  }
0x13: {  	[smem:$0x3FB8] =	sst s0;
	s0 =	simm.s32 @!p1 $0x0  }
0x14: {  	s2 =	sld [smem:$0x3F9C];
	s0 =	simm.s32 @p1 $0x1  }
0x15: {  	[smem:$0x3FB9] =	sst s0;
	s0 =	simm.s32 @!p2 $0x0  }
0x16: {  	s3 =	sld [smem:$0x3FDB];
	s0 =	simm.s32 @p2 $0x1  }
0x17: {  	s4 =	simm.s32 $0x1BF5;
	[smem:$0x3FBB] =	sst s0  }
0x18: {  	s0 =	sld [smem:$0x3F9E];
	_ =	swait.ge [sflag:s4], $0x0  }
0x19: {  	s7 =	sld [smem:$0x3F9F]  }
0x1a: {  	s8 =	sadd.s32 $0xFFFFE003, lr  }
0x1b: {  	s9 =	sadd.s32 $0xFFFFFEF7, lr;
	s5 =	simm.s32 $0xFFFFFFFF;
	p2 =	slt.u32 s8, $0xFFFFF086  }
0x1c: {  	p1 =	slt.u32 s9, $0xF7A;
	s5 =	simm.s32 @!p2 $0x0  }
0x1d: {  	s5 =	simm.s32 @p1 $0x1;
	p0 =	seq.s32 s7, s2  }
0x1e: {  	s7 =	smul.u32 @!p0 $0xF7A, s2;
	p2 =	seq.s32 @!p0 s5, $0x0  }
0x1f: {  	s9 =	smul.u32 $0xF7A, s1;
	s8 =	simm.s32 @!p0 $0x1BF5;
	p2 =	por !p2, p0  }
0x20: {  	[sflag:s8] =	ssyncset.s32 @!p0 $0xFFFFF086;
	s6 =	sadd.s32 @!p0 s3, s7;
	s7 =	simm.s32 @!p0 $0x108  }
0x21: {  	s3 =	sadd.s32 s3, s9;
	s6 =	sadd.s32 @!p0 $0x88, s6;
	s7 =	simm.s32 @p2 $0x1082  }
0x22: {  	[simem:s7], [sflag:s8] =	dma.local @!p0 [hbm:s6], $0xF7A  }
0x23: {  	s9 =	sor.u32 $0xD0000000, s2;
	s6 =	simm.s32 $0x108;
	_ =	swait.ge @!p0 [sflag:s8], $0x0  }
0x24: {  	s3 =	sadd.s32 $0x88, s3;
	s6 =	simm.s32 @!p1 $0x1082;
	[sflag:s4] =	ssyncset.s32 $0xFFFFF086  }
0x25: {  	[simem:s6], [sflag:s4] =	dma.local [hbm:s3], $0xF7A  }
0x26: {  	[smem:$0x3F9F] =	sst s1;
	(tag) =	ssettag s2;
	_ =	strace s9  }
0x27: {  	s1 =	sld [smem:$0x3FAF]  }
0x28: {  	s2 =	sld [smem:$0x3FB0]  }
0x29: {  	s4 =	sld [smem:$0x3FB2]  }
0x2a: {  	p0 =	seq.s32 s5, $0x0;
	s5 =	sld [smem:$0x3FB3]  }
0x2b: {  	s6 =	sld [smem:$0x3FB4]  }
0x2c: {  	s7 =	sld [smem:$0x3FB5]  }
0x2d: {  	s3 =	simm.s32 $0x108;
	s8 =	sld [smem:$0x3FB6]  }
0x2e: {  	s3 =	simm.s32 @!p0 $0x1082;
	s9 =	sld [smem:$0x3FB7]  }
0x2f: {  	lr =	sadd.s32 s0, s3;
	s0 =	sld [smem:$0x3FAE]  }
0x30: {  	s3 =	sld [smem:$0x3FB1]  }
0x31: {  	[smem:$0x3FBA] =	sst s10  }
0x32: {  	s10 =	sld [smem:$0x3FB8];
	_ =	sdelay $0x3  }
0x33: {  	p0 =	seq.s32 s10, $0x1;
	s10 =	sld [smem:$0x3FBA];
	_ =	sdelay $0x3  }
0x34: {  	[smem:$0x3FBA] =	sst s10  }
0x35: {  	s10 =	sld [smem:$0x3FB9];
	_ =	sdelay $0x3  }
0x36: {  	p1 =	seq.s32 s10, $0x1;
	s10 =	sld [smem:$0x3FBA];
	_ =	sdelay $0x3  }
0x37: {  	[smem:$0x3FBA] =	sst s10  }
0x38: {  	s10 =	sld [smem:$0x3FBB]  }
0x39: {  	_ = 	snop;
	(pc) =	sbr.ind lr, $3  }
0x3a: {  	_ = 	snop  }
0x3b: {  	_ = 	snop  }
0x3c: {  	p2 =	seq.s32 s10, $0x1;
	s10 =	sld [smem:$0x3FBA]  }
0x3d: {  	_ =	shalt  }
0x3e: {  	_ =	shalt  }
0x3f: {  	_ =	shalt  }
0x40: {  	_ =	shalt  }
0x41: {  	_ =	shalt  }
0x42: {  	_ =	shalt  }
0x43: {  	_ =	shalt  }
0x44: {  	_ =	shalt  }
0x45: {  	_ =	shalt  }
0x46: {  	_ =	shalt  }
0x47: {  	_ =	shalt  }
0x48: {  	_ =	shalt  }
0x49: {  	_ =	shalt  }
0x4a: {  	_ =	shalt  }
0x4b: {  	_ =	shalt  }
0x4c: {  	_ =	shalt  }
0x4d: {  	_ =	shalt  }
0x4e: {  	_ =	shalt  }
0x4f: {  	_ =	shalt  }
0x50: {  	_ =	shalt  }
0x51: {  	_ =	shalt  }
0x52: {  	_ =	shalt  }
0x53: {  	_ =	shalt  }
0x54: {  	_ =	shalt  }
0x55: {  	_ =	shalt  }
0x56: {  	_ =	shalt  }
0x57: {  	_ =	shalt  }
0x58: {  	_ =	shalt  }
0x59: {  	_ =	shalt  }
0x5a: {  	_ =	shalt  }
0x5b: {  	_ =	shalt  }
0x5c: {  	_ =	shalt  }
0x5d: {  	_ =	shalt  }
0x5e: {  	_ =	shalt  }
0x5f: {  	_ =	shalt  }
0x60: {  	_ =	shalt  }
0x61: {  	_ =	shalt  }
0x62: {  	_ =	shalt  }
0x63: {  	_ =	shalt  }
0x64: {  	_ =	shalt  }
0x65: {  	_ =	shalt  }
0x66: {  	_ =	shalt  }
0x67: {  	_ =	shalt  }
0x68: {  	_ =	shalt  }
0x69: {  	_ =	shalt  }
0x6a: {  	_ =	shalt  }
0x6b: {  	_ =	shalt  }
0x6c: {  	_ =	shalt  }
0x6d: {  	_ =	shalt  }
0x6e: {  	_ =	shalt  }
0x6f: {  	_ =	shalt  }
0x70: {  	_ =	shalt  }
0x71: {  	_ =	shalt  }
0x72: {  	_ =	shalt  }
0x73: {  	_ =	shalt  }
0x74: {  	_ =	shalt  }
0x75: {  	_ =	shalt  }
0x76: {  	_ =	shalt  }
0x77: {  	_ =	shalt  }
0x78: {  	_ =	shalt  }
0x79: {  	_ =	shalt  }
0x7a: {  	_ =	shalt  }
0x7b: {  	_ =	shalt  }
0x7c: {  	_ =	shalt  }
0x7d: {  	_ =	shalt  }
0x7e: {  	_ =	shalt  }
0x7f: {  	_ =	shalt  }
0x80: {  	_ =	shalt  }
0x81: {  	_ =	shalt  }
0x82: {  	_ =	shalt  }
0x83: {  	_ =	shalt  }
0x84: {  	_ =	shalt  }
0x85: {  	_ =	shalt  }
0x86: {  	_ =	shalt  }
0x87: {  	_ =	shalt  }
.Lfunc_end0:
.L_simem_size_0:
called_computation_lowered:
.L_overlay_start_0:
0x88: {  	s2 =	sld [smem:$0x3FD9]  }
0x89: {  	s3 =	sld [smem:$0x3FFE];
	_ =	sdelay $0x1  }
0x8a: {  	s1 =	srdreg.scid  }
0x8b: {  	s0 =	sand.u32 $0x1, s1  }
0x8c: {  	s17 =	sshll.u32 s0, $0xA;
	s2 =	sadd.s32 s3, s2  }
0x8d: {  	s2 =	sadd.s32 s2, s17  }
0x8e: {  	[smem:$0x3FC6] =	sst s2  }
0x8f: {  	_ = 	snop  }
0x90: {  	s2 =	sld [smem:$0x3FC9]  }
0x91: {  	s18 =	sld [smem:$0x3FD0];
	(tm) =	ssettm $0x1  }
0x92: {  	s4 =	sld [smem:$0x3FFB];
	_ =	sdelay $0x3  }
0x93: {  	_ =	strace s4  }
0x94: {  	s4 =	sld [smem:$0x3FFC];
	_ =	sdelay $0x3  }
0x95: {  	_ =	strace s4  }
0x96: {  	s4 =	sld [smem:$0x3FFD];
	_ =	sdelay $0x3  }
0x97: {  	_ =	strace s4  }
0x98: {  	_ =	strace $0x8FFFFFFF  }
0x99: {  	s19 =	sld [smem:$0x3FDB];
	_ =	sdelay $0x1  }
0x9a: {  	s5 =	simm.s32 $_scs_section_size  }
0x9b: {  	s6 =	simm.s32 $_size__tile_overlayer_lowered;
	s7 =	simm.s32 $_tile_overlayer_lowered  }
0x9c: {  	s22 =	simm.s32 $0x1BFF;
	s21 =	sshll.u32 s7, $0x1;
	s4 =	sadd.s32 s5, s19  }
0x9d: {  	s8 =	simm.s32 $0x0;
	s20 =	sshll.u32 s6, $0x1;
	s6 =	sadd.s32 s21, s4  }
0x9e: {  	[timem:s8], [sflag:s22] =	dma.local [hbm:s6], s20  }
0x9f: {  	_ =	swait.ge [sflag:s22], s20  }
0xa0: {  	s5 =	ssub.s32 $0x0, s20;
	[sflag:s22] =	ssyncset.done $0x0  }
0xa1: {  	[sflag:s22] =	ssyncadd.s32 s5;
	_ =	sdelay $0x1  }
0xa2: {  	s23 =	simm.s32 $0x1B8B  }
0xa3: {  	_ =	swait.ge [sflag:s23], $0x1  }
0xa4: {  	[sflag:s23] =	ssyncset.done $0x0  }
0xa5: {  	s25 =	simm.s32 $0x1B8E;
	s24 =	sld [smem:$0x3FFE];
	[sflag:s23] =	ssyncadd.s32 $0xFFFFFFFF  }
0xa6: {  	s26 =	simm.s32 $execute0_lowered;
	[smem:$0x3FD2] =	sst s25  }
0xa7: {  	s6 =	sshll.u32 s26, $0x1;
	_ =	strace $0x80000046;
	[dreg:$0x1] =	wrdreg $0xFFFFFFFF  }
0xa8: {  	s28 =	simm.s32 $_size_execute0_lowered;
	s4 =	sadd.s32 s4, s6;
	[dreg:$0x0] =	wrdreg $0x0  }
0xa9: {  	s6 =	sshll.u32 s28, $0x1;
	[dreg:$0x2] =	wrdreg s4  }
0xaa: {  	[dreg:$0x3] =	wrdreg s6  }
0xab: {  	[dreg:$0x4] =	wrdreg $0xC0  }
0xac: {  	_ =	task [dreg:s8], $0x5FFFF  }
0xad: {  	[dreg:$0x1] =	wrdreg $0xFFFFFFFF  }
0xae: {  	[dreg:$0x0] =	wrdreg $0x60  }
0xaf: {  	[dreg:$0x2] =	wrdreg s2  }
0xb0: {  	[dreg:$0x3] =	wrdreg s18  }
0xb1: {  	[dreg:$0x4] =	wrdreg s24  }
0xb2: {  	[dreg:$0x5] =	wrdreg $0x9  }
0xb3: {  	_ =	task.clear_ibuf [dreg:s8], $0x6FFFF;
	_ =	strace $0x90000046  }
0xb4: {  	s29 =	simm.s32 $0x9;
	_ =	strace $0x80000048  }
0xb5: {  	_ =	swait.ge [sflag:s29], $0x1  }
0xb6: {  	[sflag:s29] =	ssyncadd.s32 $0xFFFFFFFF  }
0xb7: {  	_ =	strace $0x90000048  }
0xb8: {  	_ =	sfence  }
0xb9: {  	s30 =	sld [smem:$0x0];
	_ =	sdelay $0x2  }
0xba: {  	s31 =	sshll.u32 s1, $0xD;
	s1 =	sshrl.u32 s1, $0x2  }
0xbb: {  	s3 =	sand.u32 $0x4000, s31;
	s1 =	sadd.s32 s1, s30  }
0xbc: {  	s0 =	sor.u32 s3, s0;
	s1 =	sshll.u32 s1, $0x11  }
0xbd: {  	s0 =	sor.u32 s1, s0  }
0xbe: {  	s0 =	sadd.s32 $0x8F2B, s0  }
0xbf: {  	[sflag:s0] =	ssyncadd.remote.s32 $0x1  }
0xc0: {  	_ =	sfence.sel $0xFFFF  }
0xc1: {  	[dreg:$0x0] =	wrdreg $0xFFFFFFFF;
	(pc) =	sbr.abs _section_cstart, $3  }
0xc2: {  	[dreg:$0x1] =	wrdreg $0xFFFFFFFF  }
0xc3: {  	_ =	task.clear_ibuf [dreg:s8], $0x2FFFF;
	_ =	strace $0x9FFFFFFF  }
0xc4: {  	(tm) =	ssettm $0x7FFFFFFF  }
0xc5: {  	_ =	shalt  }
tec
execute0_lowered:
.L_overlay_start_1:
0x0: {  	(tag) =	ssettag $0x1  }
0x1: {  	s1 =	rddreg [dreg:$0x0]  }
0x2: {  	s3 =	rddreg [dreg:$0x1]  }
0x3: {  	s6 =	rddreg [dreg:$0x2]  }
0x4: {  	s4 =	srdreg.scid;
	s0 =	rddreg [dreg:$0x3]  }
0x5: {  	s2 =	stileid.u32;
	s13 =	simm.s32 $0x5;
	s14 =	simm.s32 $0x400  }
0x6: {  	s15 =	simm.s32 $0x4400;
	s16 =	simm.s32 $0x1;
	s17 =	simm.s32 $0x8400  }
0x7: {  	s18 =	simm.s32 $0x2;
	s19 =	simm.s32 $0x4;
	s20 =	simm.s32 $0xC400  }
0x8: {  	s21 =	simm.s32 $0x3;
	s22 =	simm.s32 $0x0;
	s5 =	sand.u32 $0x1, s4  }
0x9: {  	s4 =	simm.s32 $0x0;
	s7 =	sshll.u32 s2, $0xA;
	s6 =	sadd.s32 $0x400, s6  }
.Ltmp0:
0xa: {  	s8 =	sshll.u32 s5, $0x9;
	s9 =	ssub.s32 $0x2, s5;
	(pc) =	sbr.rel .LBB2_1-.Ltmp0, $4  }
0xb: {  	[smem:$0x7FF] =	sst s4;
	s5 =	sor.u32 s8, s7;
	s31 =	sshrl.u32 s9, $0x1  }
0xc: {  	_ =	strace $0x80000047;
	s10 =	sshll.u32 s5, $0x7;
	s12 =	ssub.s32 s9, s31  }
0xd: {  	s11 =	sor.u32 $0x30, s5;
	s7 =	sadd.s32 s1, s10;
	s9 =	sadd.s32 s6, s10  }
0xe: {  	s10 =	sor.u32 $0x20, s5;
	s12 =	smax.u32 s12, $0x1;
	s8 =	sadd.s32 $0x800, s7  }
.LBB2_12:
0xf: {  	s22 =	sadd.s32 $0x1, s22  }
0x10: {  	_ =	swait.ge [sflag:s21], $0x4000;
	p0 =	sne.s32 s22, s12  }
.Ltmp1:
0x11: {  	[sflag:s21] =	ssyncset.done $0x0;
	(pc) =	sbr.rel @!p0 .LBB2_13-.Ltmp1, $4  }
0x12: {  	[sflag:s21] =	ssyncadd.s32 $0xFFFFC000  }
0x13: {  	_ =	swait.ge [sflag:s19], $0x4000  }
0x14: {  	[sflag:s19] =	ssyncset.done $0x0  }
0x15: {  	[sflag:s19] =	ssyncadd.s32 $0xFFFFC000  }
.LBB2_1:
0x16: {  	[tilespmem:s4], [sflag:$0x5] =	stream.linear.gather [hbm4b:s3+s4], $0x400, $0x38;
	[tilespmem:$0x10400] =	vst v63  }
0x17: {  	_ =	swait.ge [sflag:s13], $0x400  }
0x18: {  	[sflag:s13] =	ssyncset.done $0x0  }
0x19: {  	[sflag:s13] =	ssyncadd.s32 $0xFFFFFC00  }
0x1a: {  	[tilespmem:s14], [sflag:$0x1] =	stream.linear.gather [hbm4b:s7+s4], $0x4000, $0x38;
	[tilespmem:$0x10400] =	vst v63  }
0x1b: {  	s23 =	simm.s32 $0x0  }
0x1c: {  	[tilespmem:s15], [sflag:$0x2] =	stream.linear.gather [hbm4b:s8+s4], $0x4000, $0x38;
	[tilespmem:$0x10400] =	vst v63  }
.LBB2_2:
0x1d: {  	_ =	swait.ge [sflag:s16], $0x4000  }
0x1e: {  	p0 =	seq.s32 s23, $0x0;
	[sflag:s16] =	ssyncset.done $0x0  }
0x1f: {  	s24 =	simm.s32 @!p0 $0x3;
	[sflag:s16] =	ssyncadd.s32 $0xFFFFC000  }
0x20: {  	_ =	swait.ge @!p0 [sflag:s24], $0x4000  }
0x21: {  	[sflag:s24] =	ssyncset.done @!p0 $0x0  }
0x22: {  	s25 =	simm.s32 $0x0;
	[sflag:s24] =	ssyncadd.s32 @!p0 $0xFFFFC000  }
0x23: {  	v0 =	vld [tilespmem:s25+$0x0];
	_ =	sdelay $0x4  }
0x24: {  	v1 =	vshll.u32 v0, $0x3  }
0x25: {  	v0 =	vand.u32 $0x7F, v0;
	v1 =	vand.u32 $0xFFFFFC00, v1  }
0x26: {  	v0 =	vor.u32 v0, v1  }
0x27: {  	v1 =	vor.u32 $0x80, v0  }
0x28: {  	v2 =	vor.u32 $0x100, v0  }
0x29: {  	v3 =	vor.u32 $0x180, v0  }
0x2a: {  	v4 =	vor.u32 $0x200, v0  }
0x2b: {  	v5 =	vor.u32 $0x280, v0;
	v6 =	vld.idx.msk [tilespmem:v0+s14+$0x0], $0xffff  }
0x2c: {  	v7 =	vor.u32 $0x300, v0;
	v1 =	vld.idx.msk [tilespmem:v1+s14+$0x0], $0xffff  }
0x2d: {  	v8 =	vor.u32 $0x380, v0;
	v2 =	vld.idx.msk [tilespmem:v2+s14+$0x0], $0xffff  }
0x2e: {  	s30 =	sand.u32 $0x70, s25;
	s26 =	sand.u32 $0x1C00, s25;
	v9 =	vadd.s32 $0x2000, v0;
	v3 =	vld.idx.msk [tilespmem:v3+s14+$0x0], $0xffff  }
0x2f: {  	s24 =	sor.u32 s30, s26;
	v10 =	vadd.s32 $0x2080, v0;
	v4 =	vld.idx.msk [tilespmem:v4+s14+$0x0], $0xffff  }
0x30: {  	v11 =	vadd.s32 $0x2100, v0;
	v5 =	vld.idx.msk [tilespmem:v5+s14+$0x0], $0xffff;
	[tilespmem:s24+$0x8400] =	vst v6  }
0x31: {  	v61 =	vadd.s32 $0x2180, v0;
	v7 =	vld.idx.msk [tilespmem:v7+s14+$0x0], $0xffff;
	[tilespmem:s24+$0x8480] =	vst v1  }
0x32: {  	v8 =	vld.idx.msk [tilespmem:v8+s14+$0x0], $0xffff;
	v1 =	vadd.s32 $0x2200, v0;
	[tilespmem:s24+$0x8500] =	vst v2  }
0x33: {  	v9 =	vld.idx.msk [tilespmem:v9+s14+$0x0], $0xffff;
	v2 =	vadd.s32 $0x2280, v0;
	[tilespmem:s24+$0x8580] =	vst v3  }
0x34: {  	v10 =	vld.idx.msk [tilespmem:v10+s14+$0x0], $0xffff;
	v3 =	vadd.s32 $0x2300, v0;
	[tilespmem:s24+$0x8600] =	vst v4  }
0x35: {  	s31 =	sor.u32 s25, s25;
	v62 =	vld.idx.msk [tilespmem:v11+s14+$0x0], $0xffff;
	v0 =	vadd.s32 $0x2380, v0;
	[tilespmem:s24+$0x8680] =	vst v5  }
0x36: {  	s26 =	sor.u32 $0x380, s31;
	v63 =	vld.idx.msk [tilespmem:v61+s14+$0x0], $0xffff;
	[tilespmem:s24+$0x8700] =	vst v7  }
0x37: {  	[tilespmem:s26+$0x8400] =	vst v8;
	v1 =	vld.idx.msk [tilespmem:v1+s14+$0x0], $0xffff  }
0x38: {  	[tilespmem:s24+$0xA400] =	vst v9;
	v2 =	vld.idx.msk [tilespmem:v2+s14+$0x0], $0xffff  }
0x39: {  	[tilespmem:s24+$0xA480] =	vst v10;
	v3 =	vld.idx.msk [tilespmem:v3+s14+$0x0], $0xffff  }
0x3a: {  	[tilespmem:s24+$0xA500] =	vst v62;
	v0 =	vld.idx.msk [tilespmem:v0+s14+$0x0], $0xffff  }
0x3b: {  	[tilespmem:s24+$0xA580] =	vst v63  }
0x3c: {  	[tilespmem:s24+$0xA600] =	vst v1  }
0x3d: {  	[tilespmem:s24+$0xA680] =	vst v2  }
0x3e: {  	[tilespmem:s24+$0xA700] =	vst v3  }
0x3f: {  	s26 =	simm.s32 $0x10;
	[tilespmem:s24+$0xA780] =	vst v0  }
0x40: {  	s28 =	simm.s32 $0x20;
	s29 =	simm.s32 $0x10;
	s24 =	sshll.u32 s23, $0x5;
	v0 =	vld [tilespmem:s26+$0x0]  }
.LBB2_3:
0x41: {  	p1 =	sne.s32 s28, $0x3F0;
	_ =	sdelay $0x3  }
0x42: {  	v1 =	vshll.u32 v0, $0x3  }
0x43: {  	v0 =	vand.u32 $0x7F, v0;
	v1 =	vand.u32 $0xFFFFFC00, v1  }
0x44: {  	v0 =	vor.u32 v0, v1  }
0x45: {  	v1 =	vor.u32 $0x80, v0;
	v2 =	vor.u32 $0x100, v0;
	v3 =	vor.u32 $0x180, v0  }
0x46: {  	v4 =	vor.u32 $0x200, v0;
	v5 =	vor.u32 $0x280, v0;
	v6 =	vor.u32 $0x300, v0  }
0x47: {  	v7 =	vor.u32 $0x380, v0;
	v8 =	vadd.s32 $0x2000, v0;
	v9 =	vadd.s32 $0x2080, v0  }
0x48: {  	v10 =	vadd.s32 $0x2100, v0;
	v11 =	vadd.s32 $0x2180, v0;
	v12 =	vadd.s32 $0x2200, v0  }
0x49: {  	v14 =	vadd.s32 $0x2280, v0;
	v15 =	vadd.s32 $0x2300, v0;
	v13 =	vld.idx.msk [tilespmem:v0+s14+$0x0], $0xffff;
	v0 =	vadd.s32 $0x2380, v0  }
0x4a: {  	v1 =	vld.idx.msk [tilespmem:v1+s14+$0x0], $0xffff  }
0x4b: {  	v2 =	vld.idx.msk [tilespmem:v2+s14+$0x0], $0xffff  }
0x4c: {  	s25 =	sadd.s32 $0x80, s25;
	v3 =	vld.idx.msk [tilespmem:v3+s14+$0x0], $0xffff  }
0x4d: {  	s30 =	sand.u32 $0x70, s26;
	s31 =	sand.u32 $0x1C00, s25;
	v4 =	vld.idx.msk [tilespmem:v4+s14+$0x0], $0xffff  }
0x4e: {  	s30 =	sor.u32 s30, s31;
	v5 =	vld.idx.msk [tilespmem:v5+s14+$0x0], $0xffff  }
0x4f: {  	[tilespmem:s30+$0x8400] =	vst v13;
	v6 =	vld.idx.msk [tilespmem:v6+s14+$0x0], $0xffff  }
0x50: {  	[tilespmem:s30+$0x8480] =	vst v1;
	v1 =	vld.idx.msk [tilespmem:v7+s14+$0x0], $0xffff  }
0x51: {  	[tilespmem:s30+$0x8500] =	vst v2;
	v2 =	vld.idx.msk [tilespmem:v8+s14+$0x0], $0xffff  }
0x52: {  	[tilespmem:s30+$0x8580] =	vst v3;
	v3 =	vld.idx.msk [tilespmem:v9+s14+$0x0], $0xffff  }
0x53: {  	[tilespmem:s30+$0x8600] =	vst v4;
	v4 =	vld.idx.msk [tilespmem:v10+s14+$0x0], $0xffff  }
0x54: {  	s31 =	sor.u32 s25, s26;
	s26 =	smov.u32 s28;
	[tilespmem:s30+$0x8680] =	vst v5;
	v5 =	vld.idx.msk [tilespmem:v11+s14+$0x0], $0xffff  }
0x55: {  	s31 =	sor.u32 $0x380, s31;
	[tilespmem:s30+$0x8700] =	vst v6;
	v6 =	vld.idx.msk [tilespmem:v12+s14+$0x0], $0xffff  }
0x56: {  	[tilespmem:s31+$0x8400] =	vst v1;
	v1 =	vld.idx.msk [tilespmem:v14+s14+$0x0], $0xffff  }
0x57: {  	[tilespmem:s30+$0xA400] =	vst v2;
	v2 =	vld.idx.msk [tilespmem:v15+s14+$0x0], $0xffff  }
0x58: {  	[tilespmem:s30+$0xA480] =	vst v3;
	v0 =	vld.idx.msk [tilespmem:v0+s14+$0x0], $0xffff  }
0x59: {  	[tilespmem:s30+$0xA500] =	vst v4  }
0x5a: {  	[tilespmem:s30+$0xA580] =	vst v5  }
.Ltmp2:
0x5b: {  	[tilespmem:s30+$0xA600] =	vst v6;
	(pc) =	sbr.rel @p1 .LBB2_3-.Ltmp2, $4  }
0x5c: {  	[tilespmem:s30+$0xA680] =	vst v1  }
0x5d: {  	[tilespmem:s30+$0xA700] =	vst v2  }
0x5e: {  	s29 =	sadd.s32 $0x10, s29;
	[tilespmem:s30+$0xA780] =	vst v0  }
0x5f: {  	s28 =	sadd.s32 $0x10, s28;
	v0 =	vld [tilespmem:s29+$0x0]  }
0x60: {  	_ =	sdelay $0x3  }
0x61: {  	v1 =	vshll.u32 v0, $0x3  }
0x62: {  	v57 =	vand.u32 $0x7F, v0;
	v1 =	vand.u32 $0xFFFFFC00, v1  }
0x63: {  	v0 =	vor.u32 v57, v1  }
0x64: {  	v1 =	vor.u32 $0x80, v0  }
0x65: {  	v2 =	vor.u32 $0x100, v0  }
0x66: {  	v3 =	vor.u32 $0x180, v0  }
0x67: {  	v4 =	vor.u32 $0x200, v0  }
0x68: {  	v5 =	vor.u32 $0x280, v0;
	v6 =	vld.idx.msk [tilespmem:v0+s14+$0x0], $0xffff  }
0x69: {  	v7 =	vor.u32 $0x300, v0;
	v1 =	vld.idx.msk [tilespmem:v1+s14+$0x0], $0xffff  }
0x6a: {  	s25 =	sadd.s32 $0x80, s25;
	v8 =	vor.u32 $0x380, v0;
	v2 =	vld.idx.msk [tilespmem:v2+s14+$0x0], $0xffff  }
0x6b: {  	s28 =	sand.u32 $0x70, s26;
	s29 =	sand.u32 $0x1C00, s25;
	v9 =	vadd.s32 $0x2000, v0;
	v3 =	vld.idx.msk [tilespmem:v3+s14+$0x0], $0xffff  }
0x6c: {  	s28 =	sor.u32 s28, s29;
	v10 =	vadd.s32 $0x2080, v0;
	v4 =	vld.idx.msk [tilespmem:v4+s14+$0x0], $0xffff  }
0x6d: {  	v11 =	vadd.s32 $0x2100, v0;
	v5 =	vld.idx.msk [tilespmem:v5+s14+$0x0], $0xffff;
	[tilespmem:s28+$0x8400] =	vst v6  }
0x6e: {  	v58 =	vadd.s32 $0x2180, v0;
	v59 =	vadd.s32 $0x2200, v0;
	v7 =	vld.idx.msk [tilespmem:v7+s14+$0x0], $0xffff;
	[tilespmem:s28+$0x8480] =	vst v1  }
0x6f: {  	v60 =	vadd.s32 $0x2280, v0;
	v61 =	vadd.s32 $0x2300, v0;
	v0 =	vadd.s32 $0x2380, v0;
	v8 =	vld.idx.msk [tilespmem:v8+s14+$0x0], $0xffff;
	[tilespmem:s28+$0x8500] =	vst v2  }
0x70: {  	v9 =	vld.idx.msk [tilespmem:v9+s14+$0x0], $0xffff;
	[tilespmem:s28+$0x8580] =	vst v3  }
0x71: {  	v10 =	vld.idx.msk [tilespmem:v10+s14+$0x0], $0xffff;
	[tilespmem:s28+$0x8600] =	vst v4  }
0x72: {  	s25 =	sor.u32 s25, s26;
	v62 =	vld.idx.msk [tilespmem:v11+s14+$0x0], $0xffff;
	[tilespmem:s28+$0x8680] =	vst v5  }
0x73: {  	s25 =	sor.u32 $0x380, s25;
	v63 =	vld.idx.msk [tilespmem:v58+s14+$0x0], $0xffff;
	[tilespmem:s28+$0x8700] =	vst v7  }
0x74: {  	v0 =	vld.idx.msk [tilespmem:v0+s14+$0x0], $0xffff;
	[tilespmem:s25+$0x8400] =	vst v8  }
0x75: {  	v1 =	vld.idx.msk [tilespmem:v59+s14+$0x0], $0xffff;
	[tilespmem:s28+$0xA400] =	vst v9  }
0x76: {  	v2 =	vld.idx.msk [tilespmem:v60+s14+$0x0], $0xffff;
	[tilespmem:s28+$0xA480] =	vst v10  }
0x77: {  	v3 =	vld.idx.msk [tilespmem:v61+s14+$0x0], $0xffff;
	[tilespmem:s28+$0xA500] =	vst v62  }
0x78: {  	p1 =	sne.s32 s23, $0xF;
	[tilespmem:s28+$0xA580] =	vst v63  }
.Ltmp3:
0x79: {  	[tilespmem:s28+$0xA780] =	vst v0;
	(pc) =	sbr.rel @p1 .LBB2_6-.Ltmp3, $4  }
0x7a: {  	[tilespmem:s28+$0xA600] =	vst v1  }
0x7b: {  	s31 =	sshll.u32 s23, $0xC;
	[tilespmem:s28+$0xA680] =	vst v2  }
0x7c: {  	s25 =	sadd.s32 s31, s9;
	[tilespmem:s28+$0xA700] =	vst v3  }
0x7d: {  	[hbm4b:s25+s4] =	stream.linear.scatter [tilespmem:s17], [sflag:$0x3], $0x4000, $0x38;
	[tilespmem:$0x10400] =	vst v63  }
.Ltmp4:
0x7e: {  	(pc) =	sbr.rel .LBB2_7-.Ltmp4, $4  }
0x7f: {  	_ = 	snop  }
0x80: {  	_ =	swait.ge [sflag:s18], $0x4000  }
0x81: {  	[sflag:s18] =	ssyncset.done $0x0  }
0x82: {  	[sflag:s18] =	ssyncadd.s32 $0xFFFFC000  }
.LBB2_6:
0x83: {  	s25 =	sadd.s32 s24, s10  }
0x84: {  	s25 =	sshll.u32 s25, $0x7  }
.Ltmp5:
0x85: {  	s25 =	sadd.s32 s1, s25;
	(pc) =	sbr.rel @p0 .LBB2_8-.Ltmp5, $4  }
0x86: {  	[tilespmem:s14], [sflag:$0x1] =	stream.linear.gather [hbm4b:s25+s4], $0x4000, $0x38;
	[tilespmem:$0x10400] =	vst v63  }
0x87: {  	_ =	swait.ge [sflag:s18], $0x4000  }
0x88: {  	[sflag:s18] =	ssyncset.done $0x0  }
0x89: {  	[sflag:s18] =	ssyncadd.s32 $0xFFFFC000  }
.LBB2_7:
0x8a: {  	_ =	swait.ge [sflag:s19], $0x4000  }
0x8b: {  	[sflag:s19] =	ssyncset.done $0x0  }
0x8c: {  	[sflag:s19] =	ssyncadd.s32 $0xFFFFC000  }
.LBB2_8:
0x8d: {  	s25 =	simm.s32 $0x0  }
0x8e: {  	v0 =	vld [tilespmem:s25+$0x0];
	_ =	sdelay $0x4  }
0x8f: {  	v1 =	vshll.u32 v0, $0x3  }
0x90: {  	v0 =	vand.u32 $0x7F, v0;
	v1 =	vand.u32 $0xFFFFFC00, v1  }
0x91: {  	v0 =	vor.u32 v0, v1  }
0x92: {  	v1 =	vor.u32 $0x80, v0  }
0x93: {  	v2 =	vor.u32 $0x100, v0  }
0x94: {  	v3 =	vor.u32 $0x180, v0  }
0x95: {  	v4 =	vor.u32 $0x200, v0  }
0x96: {  	v5 =	vor.u32 $0x280, v0;
	v6 =	vld.idx.msk [tilespmem:v0+s15+$0x0], $0xffff  }
0x97: {  	v7 =	vor.u32 $0x300, v0;
	v1 =	vld.idx.msk [tilespmem:v1+s15+$0x0], $0xffff  }
0x98: {  	v8 =	vor.u32 $0x380, v0;
	v2 =	vld.idx.msk [tilespmem:v2+s15+$0x0], $0xffff  }
0x99: {  	s26 =	sand.u32 $0x70, s25;
	s28 =	sand.u32 $0x1C00, s25;
	v9 =	vadd.s32 $0x2000, v0;
	v3 =	vld.idx.msk [tilespmem:v3+s15+$0x0], $0xffff  }
0x9a: {  	s28 =	sor.u32 s26, s28;
	v10 =	vadd.s32 $0x2080, v0;
	v4 =	vld.idx.msk [tilespmem:v4+s15+$0x0], $0xffff  }
0x9b: {  	v11 =	vadd.s32 $0x2100, v0;
	v5 =	vld.idx.msk [tilespmem:v5+s15+$0x0], $0xffff;
	[tilespmem:s28+$0xC400] =	vst v6  }
0x9c: {  	v61 =	vadd.s32 $0x2180, v0;
	v7 =	vld.idx.msk [tilespmem:v7+s15+$0x0], $0xffff;
	[tilespmem:s28+$0xC480] =	vst v1  }
0x9d: {  	v8 =	vld.idx.msk [tilespmem:v8+s15+$0x0], $0xffff;
	v1 =	vadd.s32 $0x2200, v0;
	[tilespmem:s28+$0xC500] =	vst v2  }
0x9e: {  	v9 =	vld.idx.msk [tilespmem:v9+s15+$0x0], $0xffff;
	v2 =	vadd.s32 $0x2280, v0;
	[tilespmem:s28+$0xC580] =	vst v3  }
0x9f: {  	v10 =	vld.idx.msk [tilespmem:v10+s15+$0x0], $0xffff;
	v3 =	vadd.s32 $0x2300, v0;
	[tilespmem:s28+$0xC600] =	vst v4  }
0xa0: {  	s31 =	sor.u32 s25, s25;
	v62 =	vld.idx.msk [tilespmem:v11+s15+$0x0], $0xffff;
	v0 =	vadd.s32 $0x2380, v0;
	[tilespmem:s28+$0xC680] =	vst v5  }
0xa1: {  	s26 =	sor.u32 $0x380, s31;
	v63 =	vld.idx.msk [tilespmem:v61+s15+$0x0], $0xffff;
	[tilespmem:s28+$0xC700] =	vst v7  }
0xa2: {  	[tilespmem:s26+$0xC400] =	vst v8;
	v1 =	vld.idx.msk [tilespmem:v1+s15+$0x0], $0xffff  }
0xa3: {  	[tilespmem:s28+$0xE400] =	vst v9;
	v2 =	vld.idx.msk [tilespmem:v2+s15+$0x0], $0xffff  }
0xa4: {  	[tilespmem:s28+$0xE480] =	vst v10;
	v3 =	vld.idx.msk [tilespmem:v3+s15+$0x0], $0xffff  }
0xa5: {  	[tilespmem:s28+$0xE500] =	vst v62;
	v0 =	vld.idx.msk [tilespmem:v0+s15+$0x0], $0xffff  }
0xa6: {  	[tilespmem:s28+$0xE580] =	vst v63  }
0xa7: {  	[tilespmem:s28+$0xE600] =	vst v1  }
0xa8: {  	[tilespmem:s28+$0xE680] =	vst v2  }
0xa9: {  	[tilespmem:s28+$0xE700] =	vst v3  }
0xaa: {  	s26 =	simm.s32 $0x10;
	[tilespmem:s28+$0xE780] =	vst v0  }
0xab: {  	s29 =	simm.s32 $0x10;
	s28 =	simm.s32 $0x20;
	v0 =	vld [tilespmem:s26+$0x0]  }
.LBB2_9:
0xac: {  	p0 =	sne.s32 s28, $0x3F0;
	_ =	sdelay $0x3  }
0xad: {  	v1 =	vshll.u32 v0, $0x3  }
0xae: {  	v0 =	vand.u32 $0x7F, v0;
	v1 =	vand.u32 $0xFFFFFC00, v1  }
0xaf: {  	v0 =	vor.u32 v0, v1  }
0xb0: {  	v1 =	vor.u32 $0x80, v0;
	v2 =	vor.u32 $0x100, v0;
	v3 =	vor.u32 $0x180, v0  }
0xb1: {  	v4 =	vor.u32 $0x200, v0;
	v5 =	vor.u32 $0x280, v0;
	v6 =	vor.u32 $0x300, v0  }
0xb2: {  	v7 =	vor.u32 $0x380, v0;
	v8 =	vadd.s32 $0x2000, v0;
	v9 =	vadd.s32 $0x2080, v0  }
0xb3: {  	v10 =	vadd.s32 $0x2100, v0;
	v11 =	vadd.s32 $0x2180, v0;
	v12 =	vadd.s32 $0x2200, v0  }
0xb4: {  	v14 =	vadd.s32 $0x2280, v0;
	v15 =	vadd.s32 $0x2300, v0;
	v13 =	vld.idx.msk [tilespmem:v0+s15+$0x0], $0xffff;
	v0 =	vadd.s32 $0x2380, v0  }
0xb5: {  	v1 =	vld.idx.msk [tilespmem:v1+s15+$0x0], $0xffff  }
0xb6: {  	v2 =	vld.idx.msk [tilespmem:v2+s15+$0x0], $0xffff  }
0xb7: {  	s25 =	sadd.s32 $0x80, s25;
	v3 =	vld.idx.msk [tilespmem:v3+s15+$0x0], $0xffff  }
0xb8: {  	s30 =	sand.u32 $0x70, s26;
	s31 =	sand.u32 $0x1C00, s25;
	v4 =	vld.idx.msk [tilespmem:v4+s15+$0x0], $0xffff  }
0xb9: {  	s30 =	sor.u32 s30, s31;
	v5 =	vld.idx.msk [tilespmem:v5+s15+$0x0], $0xffff  }
0xba: {  	[tilespmem:s30+$0xC400] =	vst v13;
	v6 =	vld.idx.msk [tilespmem:v6+s15+$0x0], $0xffff  }
0xbb: {  	[tilespmem:s30+$0xC480] =	vst v1;
	v1 =	vld.idx.msk [tilespmem:v7+s15+$0x0], $0xffff  }
0xbc: {  	[tilespmem:s30+$0xC500] =	vst v2;
	v2 =	vld.idx.msk [tilespmem:v8+s15+$0x0], $0xffff  }
0xbd: {  	[tilespmem:s30+$0xC580] =	vst v3;
	v3 =	vld.idx.msk [tilespmem:v9+s15+$0x0], $0xffff  }
0xbe: {  	[tilespmem:s30+$0xC600] =	vst v4;
	v4 =	vld.idx.msk [tilespmem:v10+s15+$0x0], $0xffff  }
0xbf: {  	s31 =	sor.u32 s25, s26;
	s26 =	smov.u32 s28;
	[tilespmem:s30+$0xC680] =	vst v5;
	v5 =	vld.idx.msk [tilespmem:v11+s15+$0x0], $0xffff  }
0xc0: {  	s31 =	sor.u32 $0x380, s31;
	[tilespmem:s30+$0xC700] =	vst v6;
	v6 =	vld.idx.msk [tilespmem:v12+s15+$0x0], $0xffff  }
0xc1: {  	[tilespmem:s31+$0xC400] =	vst v1;
	v1 =	vld.idx.msk [tilespmem:v14+s15+$0x0], $0xffff  }
0xc2: {  	[tilespmem:s30+$0xE400] =	vst v2;
	v2 =	vld.idx.msk [tilespmem:v15+s15+$0x0], $0xffff  }
0xc3: {  	[tilespmem:s30+$0xE480] =	vst v3;
	v0 =	vld.idx.msk [tilespmem:v0+s15+$0x0], $0xffff  }
0xc4: {  	[tilespmem:s30+$0xE500] =	vst v4  }
0xc5: {  	[tilespmem:s30+$0xE580] =	vst v5  }
.Ltmp6:
0xc6: {  	[tilespmem:s30+$0xE600] =	vst v6;
	(pc) =	sbr.rel @p0 .LBB2_9-.Ltmp6, $4  }
0xc7: {  	[tilespmem:s30+$0xE680] =	vst v1  }
0xc8: {  	[tilespmem:s30+$0xE700] =	vst v2  }
0xc9: {  	s29 =	sadd.s32 $0x10, s29;
	[tilespmem:s30+$0xE780] =	vst v0  }
0xca: {  	s28 =	sadd.s32 $0x10, s28;
	v0 =	vld [tilespmem:s29+$0x0]  }
0xcb: {  	_ =	sdelay $0x3  }
0xcc: {  	v1 =	vshll.u32 v0, $0x3  }
0xcd: {  	v57 =	vand.u32 $0x7F, v0;
	v1 =	vand.u32 $0xFFFFFC00, v1  }
0xce: {  	v0 =	vor.u32 v57, v1  }
0xcf: {  	v1 =	vor.u32 $0x80, v0  }
0xd0: {  	v2 =	vor.u32 $0x100, v0  }
0xd1: {  	v3 =	vor.u32 $0x180, v0  }
0xd2: {  	v4 =	vor.u32 $0x200, v0  }
0xd3: {  	v5 =	vor.u32 $0x280, v0;
	v6 =	vld.idx.msk [tilespmem:v0+s15+$0x0], $0xffff  }
0xd4: {  	v7 =	vor.u32 $0x300, v0;
	v1 =	vld.idx.msk [tilespmem:v1+s15+$0x0], $0xffff  }
0xd5: {  	s25 =	sadd.s32 $0x80, s25;
	v8 =	vor.u32 $0x380, v0;
	v2 =	vld.idx.msk [tilespmem:v2+s15+$0x0], $0xffff  }
0xd6: {  	s28 =	sand.u32 $0x70, s26;
	s29 =	sand.u32 $0x1C00, s25;
	v9 =	vadd.s32 $0x2000, v0;
	v3 =	vld.idx.msk [tilespmem:v3+s15+$0x0], $0xffff  }
0xd7: {  	s28 =	sor.u32 s28, s29;
	v10 =	vadd.s32 $0x2080, v0;
	v4 =	vld.idx.msk [tilespmem:v4+s15+$0x0], $0xffff  }
0xd8: {  	v11 =	vadd.s32 $0x2100, v0;
	v5 =	vld.idx.msk [tilespmem:v5+s15+$0x0], $0xffff;
	[tilespmem:s28+$0xC400] =	vst v6  }
0xd9: {  	v58 =	vadd.s32 $0x2180, v0;
	v59 =	vadd.s32 $0x2200, v0;
	v7 =	vld.idx.msk [tilespmem:v7+s15+$0x0], $0xffff;
	[tilespmem:s28+$0xC480] =	vst v1  }
0xda: {  	v60 =	vadd.s32 $0x2280, v0;
	v61 =	vadd.s32 $0x2300, v0;
	v0 =	vadd.s32 $0x2380, v0;
	v8 =	vld.idx.msk [tilespmem:v8+s15+$0x0], $0xffff;
	[tilespmem:s28+$0xC500] =	vst v2  }
0xdb: {  	v9 =	vld.idx.msk [tilespmem:v9+s15+$0x0], $0xffff;
	[tilespmem:s28+$0xC580] =	vst v3  }
0xdc: {  	v10 =	vld.idx.msk [tilespmem:v10+s15+$0x0], $0xffff;
	[tilespmem:s28+$0xC600] =	vst v4  }
0xdd: {  	s25 =	sor.u32 s25, s26;
	v62 =	vld.idx.msk [tilespmem:v11+s15+$0x0], $0xffff;
	[tilespmem:s28+$0xC680] =	vst v5  }
0xde: {  	s25 =	sor.u32 $0x380, s25;
	v63 =	vld.idx.msk [tilespmem:v58+s15+$0x0], $0xffff;
	[tilespmem:s28+$0xC700] =	vst v7  }
0xdf: {  	v0 =	vld.idx.msk [tilespmem:v0+s15+$0x0], $0xffff;
	[tilespmem:s25+$0xC400] =	vst v8  }
0xe0: {  	v1 =	vld.idx.msk [tilespmem:v59+s15+$0x0], $0xffff;
	[tilespmem:s28+$0xE400] =	vst v9  }
0xe1: {  	v2 =	vld.idx.msk [tilespmem:v60+s15+$0x0], $0xffff;
	[tilespmem:s28+$0xE480] =	vst v10  }
0xe2: {  	v3 =	vld.idx.msk [tilespmem:v61+s15+$0x0], $0xffff;
	[tilespmem:s28+$0xE500] =	vst v62  }
0xe3: {  	p0 =	seq.s32 s23, $0xF;
	[tilespmem:s28+$0xE580] =	vst v63  }
.Ltmp7:
0xe4: {  	s31 =	sadd.s32 s24, s5;
	[tilespmem:s28+$0xE780] =	vst v0;
	(pc) =	sbr.rel @p0 .LBB2_12-.Ltmp7, $4  }
0xe5: {  	s25 =	sshll.u32 s31, $0x7;
	[tilespmem:s28+$0xE600] =	vst v1  }
0xe6: {  	s25 =	sadd.s32 s6, s25;
	[tilespmem:s28+$0xE680] =	vst v2  }
0xe7: {  	s25 =	sadd.s32 $0x800, s25;
	[tilespmem:s28+$0xE700] =	vst v3  }
0xe8: {  	[hbm4b:s25+s4] =	stream.linear.scatter [tilespmem:s20], [sflag:$0x4], $0x4000, $0x38;
	[tilespmem:$0x10400] =	vst v63  }
.Ltmp8:
0xe9: {  	(pc) =	sbr.rel .LBB2_2-.Ltmp8, $4  }
0xea: {  	s24 =	sadd.s32 s24, s11  }
0xeb: {  	s24 =	sshll.u32 s24, $0x7  }
0xec: {  	s23 =	sadd.s32 $0x1, s23;
	s24 =	sadd.s32 s1, s24  }
0xed: {  	[tilespmem:s15], [sflag:$0x2] =	stream.linear.gather [hbm4b:s24+s4], $0x4000, $0x38;
	[tilespmem:$0x10400] =	vst v63  }
.LBB2_13:
0xee: {  	_ =	sfence.sel $0x180000  }
0xef: {  	[bflag:$0x0] =	sbarrier.arrive $0xFFFF  }
0xf0: {  	p0 =	sne.s32 s2, $0x0;
	_ =	strace $0x90000047  }
0xf1: {  	s0 =	sadd.s32 @!p0 $0x100000, s0;
	[bflag:$0x2] =	sbarrier.arrive $0xFFFF  }
0xf2: {  	[sflag:s0] =	ssyncadd.tile.s32 @!p0 $0x1;
	_ =	shalt  }
.Lfunc_end2:
_tile_overlayer_lowered:
.L_overlay_start_2:
0xf3: {  	(tag) =	ssettag $0x2  }
0xf4: {  	s0 =	rddreg [dreg:$0x0];
	s2 =	stileid.u32  }
0xf5: {  	s1 =	rddreg [dreg:$0x1];
	p0 =	sne.s32 s2, $0x0  }
0xf6: {  	s3 =	rddreg [dreg:$0x2];
	[bflag:$0x3] =	sbarrier.arrive $0xFFFF;
	s2 =	simm.s32 @!p0 $0x1C05  }
0xf7: {  	[timem:s3], [sflag:s2] =	dma.local @!p0 [hbm:s0], s1  }
0xf8: {  	s0 =	simm.s32 @!p0 $0x5  }
0xf9: {  	_ =	swait.ge @!p0 [sflag:s0], s1  }
0xfa: {  	s1 =	ssub.s32 @!p0 $0x0, s1;
	[sflag:s0] =	ssyncset.done @!p0 $0x0  }
0xfb: {  	[sflag:s0] =	ssyncadd.s32 @!p0 s1  }
0xfc: {  	[bflag:$0x3] =	sbarrier.arrive $0xFFFF  }
0xfd: {  	_ =	shalt  }

</sc_bundles>
